<compile_context>
chip_gen: v7x
topology: tpu7x:2x2x1
jax: 0.10.2.dev20260603
libtpu: 0.0.44.dev20260713+nightly
codegen_flags: <defaults>
</compile_context>

<pallas_src>
import functools

import jax
import jax.numpy as jnp
from jax import lax
from jax.experimental import pallas as pl
from jax.experimental.pallas import tpu as pltpu
from jax.experimental.pallas import tpu_sc as plsc

MAX_TOKENS = 1024
PAD_VALUE = 0.0

_SEQ_BLK = 256


def _fill_body(tok_ref, m_ref, out_ref):
    m = m_ref[0]
    out_ref[0] = jnp.where(m != 0, jnp.float32(PAD_VALUE), tok_ref[0])


def _masked_fill(obs_tokens, mask_col):
    batch, seq_len, dim = obs_tokens.shape
    n_seq = MAX_TOKENS // _SEQ_BLK
    return pl.pallas_call(
        _fill_body,
        grid=(batch, n_seq),
        in_specs=[
            pl.BlockSpec((1, _SEQ_BLK, dim), lambda b, s: (b, s, 0)),
            pl.BlockSpec((1, _SEQ_BLK, 1), lambda b, s: (b, s, 0)),
        ],
        out_specs=pl.BlockSpec((1, _SEQ_BLK, dim), lambda b, s: (b, s, 0)),
        out_shape=jax.ShapeDtypeStruct((batch, MAX_TOKENS, dim), obs_tokens.dtype),
    )(obs_tokens, mask_col)


def _lengths_sc(mask_t):
    n, batch = mask_t.shape
    mask_flat = mask_t.reshape(n * batch)
    mesh = plsc.VectorSubcoreMesh(core_axis_name="c", subcore_axis_name="s")

    @functools.partial(
        pl.kernel,
        mesh=mesh,
        out_type=jax.ShapeDtypeStruct((batch,), jnp.int32),
        scratch_types=[
            pltpu.VMEM((n * batch,), jnp.int32),
            pltpu.VMEM((batch,), jnp.int32),
        ],
    )
    def k(mask_hbm, out_hbm, buf_v, res_v):
        cid = lax.axis_index("c")
        sid = lax.axis_index("s")

        @pl.when(jnp.logical_and(cid == 0, sid == 0))
        def _():
            pltpu.sync_copy(mask_hbm, buf_v)

            def body(i, acc):
                return acc + buf_v[pl.ds(i * batch, batch)]

            acc = lax.fori_loop(0, n, body, jnp.zeros((batch,), jnp.int32))
            res_v[...] = n - acc
            pltpu.sync_copy(res_v, out_hbm)

    return k(mask_flat)


def kernel(obs_tokens, obs_mask):
    new_mask = obs_mask[:, :MAX_TOKENS]
    mask_col = new_mask[:, :, None].astype(jnp.int32)
    trimmed = _masked_fill(obs_tokens, mask_col)
    lengths = _lengths_sc(mask_col[:, :, 0].T)
    return trimmed, new_mask, lengths

# --- scband reference (transcript-rebuilt; emitter-appended) ---
"""Pipeline reference for scband-obs-token-trim-28561532518402 (READ-ONLY COPY).

The authoritative reference and input builder live on the scoring server;
editing this copy changes nothing except your own understanding.
"""

import jax, jax.numpy as jnp
import numpy as np

MAX_TOKENS = 1024
PAD_VALUE = 0.0

def setup_inputs(seed: int = 0) -> dict:
    key = jax.random.key(seed)
    k1, k2 = jax.random.split(key)
    obs_tokens = jax.random.normal(k1, (16, 2048, 1024), dtype=jnp.float32)
    obs_mask = jax.random.randint(k2, (16, 2048), 0, 2).astype(jnp.bool_)
    return {"obs_tokens": obs_tokens, "obs_mask": obs_mask}

def reference(obs_tokens, obs_mask):
    batch, seq_len, _ = obs_tokens.shape
    max_len = min(MAX_TOKENS, seq_len)
    trimmed_tokens = obs_tokens[:, :max_len]
    new_mask = obs_mask[:, :max_len].astype(jnp.bool_)
    # masked_fill: positions where mask is True become pad_value
    trimmed_tokens = jnp.where(new_mask[:, :, None], jnp.asarray(PAD_VALUE, trimmed_tokens.dtype), trimmed_tokens)
    # length_key is set and lengths is None in the max_tokens branch -> recompute
    lengths = (~new_mask).sum(axis=1).astype(jnp.int64)
    return trimmed_tokens, new_mask, lengths

if __name__ == "__main__":
    import jax
    _d = setup_inputs()
    print(jax.jit(kernel)(*tuple(_d.values())))

</pallas_src>

<mosaic_0001>
#map = affine_map<(d0, d1) -> (0)>
module attributes {stable_mosaic.version = 14 : i64} {
  func.func @k(%arg0: i32, %arg1: i32, %arg2: memref<16384xi32, #tpu.memory_space<hbm>>, %arg3: memref<16xi32, #tpu.memory_space<hbm>>, %arg4: memref<16384xi32, #tpu.memory_space<vmem>>, %arg5: memref<16xi32, #tpu.memory_space<vmem>>) attributes {dimension_semantics = [#tpu.dimension_semantics<core_parallel>, #tpu.dimension_semantics<subcore_parallel>], iteration_bounds = array<i64: 2, 16>, scalar_prefetch = 0 : i64, scratch_operands = 2 : i64, tpu.core_type = #tpu.core_type<sc_vector_subcore>, window_params = [{transform_indices = #map}, {transform_indices = #map}]} {
    %eq3A = arith.constant 0 : i32
    %eq3A_0 = arith.cmpi eq, %arg0, %eq3A : i32
    %eq3A_1 = arith.constant 0 : i32
    %eq3A_2 = arith.cmpi eq, %arg1, %eq3A_1 : i32
    %and3A = arith.andi %eq3A_0, %eq3A_2 : i1
    %convert_element_type3A = arith.extui %and3A : i1 to i32
    %cond3A = arith.constant 0 : i32
    %cond3A_3 = arith.cmpi ne, %convert_element_type3A, %cond3A : i32
    scf.if %cond3A_3 {
      "tpu.region"() ({
        %run_scoped3A = tpu.sem_alloc : memref<!tpu.dma_semaphore, #tpu.memory_space<semaphore_mem>>
        tpu.enqueue_dma source(%arg2 : memref<16384xi32, #tpu.memory_space<hbm>>) target(%arg4 : memref<16384xi32, #tpu.memory_space<vmem>>) target_semaphore(%run_scoped3A : memref<!tpu.dma_semaphore, #tpu.memory_space<semaphore_mem>>)
        tpu.wait_dma2 semaphore(%run_scoped3A : memref<!tpu.dma_semaphore, #tpu.memory_space<semaphore_mem>>) src(%arg2 : memref<16384xi32, #tpu.memory_space<hbm>>) dst(%arg4 : memref<16384xi32, #tpu.memory_space<vmem>>)
        tpu.yield
      }) : () -> ()
      %broadcast_in_dim3A = arith.constant 0 : i32
      %broadcast_in_dim3A_4 = vector.broadcast %broadcast_in_dim3A : i32 to vector<16xi32>
      %scan3A = arith.constant 0 : i32
      %scan3A_5 = arith.constant 1024 : i32
      %scan3A_6 = arith.addi %scan3A, %scan3A_5 : i32
      %scan3A_7 = arith.constant 1 : i32
      %scan3A_8 = scf.for %scan3A_15 = %scan3A to %scan3A_6 step %scan3A_7 iter_args(%scan3A_16 = %broadcast_in_dim3A_4) -> (vector<16xi32>)  : i32 {
        %mul3A = arith.constant 16 : i32
        %mul3A_17 = arith.muli %scan3A_15, %mul3A : i32
        %get3A = arith.index_cast %mul3A_17 : i32 to index
        %get3A_18 = tpu.vector_load %arg4[%get3A] {strides = array<i32>} : memref<16384xi32, #tpu.memory_space<vmem>>, vector<16xi32>,
        %get3A_19 = vector.shape_cast %get3A_18 : vector<16xi32> to vector<16xi32>
        %add3A = arith.addi %scan3A_16, %get3A_19 : vector<16xi32>
        scf.yield %add3A : vector<16xi32>
      }
      %scan3A_9 = arith.constant 1024 : i32
      %sub3A = arith.constant 1024 : i32
      %sub3A_10 = vector.broadcast %sub3A : i32 to vector<16xi32>
      %sub3A_11 = arith.subi %sub3A_10, %scan3A_8 : vector<16xi32>
      %swap3A = arith.constant 0 : index
      %swap3A_12 = tpu.vector_load %arg5[%swap3A] {strides = array<i32>} : memref<16xi32, #tpu.memory_space<vmem>>, vector<16xi32>,
      %swap3A_13 = vector.shape_cast %swap3A_12 : vector<16xi32> to vector<16xi32>
      %swap3A_14 = vector.shape_cast %sub3A_11 : vector<16xi32> to vector<16xi32>
      tpu.vector_store %arg5[%swap3A], %swap3A_14 {strides = array<i32>} : memref<16xi32, #tpu.memory_space<vmem>>, vector<16xi32>,
      "tpu.region"() ({
        %run_scoped3A = tpu.sem_alloc : memref<!tpu.dma_semaphore, #tpu.memory_space<semaphore_mem>>
        tpu.enqueue_dma source(%arg5 : memref<16xi32, #tpu.memory_space<vmem>>) target(%arg3 : memref<16xi32, #tpu.memory_space<hbm>>) target_semaphore(%run_scoped3A : memref<!tpu.dma_semaphore, #tpu.memory_space<semaphore_mem>>)
        tpu.wait_dma2 semaphore(%run_scoped3A : memref<!tpu.dma_semaphore, #tpu.memory_space<semaphore_mem>>) src(%arg5 : memref<16xi32, #tpu.memory_space<vmem>>) dst(%arg3 : memref<16xi32, #tpu.memory_space<hbm>>)
        tpu.yield
      }) : () -> ()
    } else {
    }
    return
  }
}

module attributes {stable_mosaic.version = 14 : i64} {
  func.func @_fill_body(%arg0: i32, %arg1: i32, %arg2: memref<1x256x1024xf32, #tpu.memory_space<vmem>>, %arg3: memref<1x256x1xi32, #tpu.memory_space<vmem>>, %arg4: memref<1x256x1024xf32, #tpu.memory_space<vmem>>) attributes {dimension_semantics = [#tpu.dimension_semantics<arbitrary>, #tpu.dimension_semantics<arbitrary>], iteration_bounds = array<i64: 16, 4>, scalar_prefetch = 0 : i64, scratch_operands = 0 : i64, tpu.core_type = #tpu.core_type<tc>, window_params = [{transform_indices = @transform_0, window_bounds = array<i64: 1, 256, 1024>}, {transform_indices = @transform_1, window_bounds = array<i64: 1, 256, 1>}, {transform_indices = @transform_2, window_bounds = array<i64: 1, 256, 1024>}]} {
    %get3A = arith.constant 0 : index
    %get3A_0 = arith.constant 0 : index
    %get3A_1 = arith.constant 0 : index
    %get3A_2 = vector.load %arg3[%get3A, %get3A_0, %get3A_1] : memref<1x256x1xi32, #tpu.memory_space<vmem>>, vector<1x256x1xi32>
    %get3A_3 = vector.shape_cast %get3A_2 : vector<1x256x1xi32> to vector<256x1xi32>
    %ne3A = arith.constant 0 : i32
    %ne3A_4 = vector.broadcast %ne3A : i32 to vector<256x1xi32>
    %ne3A_5 = arith.cmpi ne, %get3A_3, %ne3A_4 : vector<256x1xi32>
    %get3A_6 = arith.constant 0 : index
    %get3A_7 = arith.constant 0 : index
    %get3A_8 = arith.constant 0 : index
    %get3A_9 = vector.load %arg2[%get3A_6, %get3A_7, %get3A_8] : memref<1x256x1024xf32, #tpu.memory_space<vmem>>, vector<1x256x1024xf32>
    %get3A_10 = vector.shape_cast %get3A_9 : vector<1x256x1024xf32> to vector<256x1024xf32>
    %jit3A = arith.constant 0.000000e+00 : f32
    %broadcast_in_dim3A = vector.shape_cast %ne3A_5 : vector<256x1xi1> to vector<256x1xi1>
    %broadcast_in_dim3A_11 = vector.broadcast %broadcast_in_dim3A : vector<256x1xi1> to vector<256x1024xi1>
    %broadcast_in_dim3A_12 = vector.broadcast %jit3A : f32 to vector<256x1024xf32>
    %select_n3A = arith.select %broadcast_in_dim3A_11, %broadcast_in_dim3A_12, %get3A_10 : vector<256x1024xi1>, vector<256x1024xf32>
    %swap3A = arith.constant 0 : index
    %swap3A_13 = arith.constant 0 : index
    %swap3A_14 = arith.constant 0 : index
    %swap3A_15 = vector.load %arg4[%swap3A, %swap3A_13, %swap3A_14] : memref<1x256x1024xf32, #tpu.memory_space<vmem>>, vector<1x256x1024xf32>
    %swap3A_16 = vector.shape_cast %swap3A_15 : vector<1x256x1024xf32> to vector<256x1024xf32>
    %swap3A_17 = vector.shape_cast %select_n3A : vector<256x1024xf32> to vector<1x256x1024xf32>
    tpu.vector_store %arg4[%swap3A, %swap3A_13, %swap3A_14], %swap3A_17 {strides = array<i32>} : memref<1x256x1024xf32, #tpu.memory_space<vmem>>, vector<1x256x1024xf32>,
    return
  }
  func.func @transform_0(%arg0: i32, %arg1: i32) -> (i32, i32, i32) {
    %c0_i32 = arith.constant 0 : i32
    %c0_i32_0 = arith.constant 0 : i32
    return %arg0, %arg1, %c0_i32 : i32, i32, i32
  }
  func.func @transform_1(%arg0: i32, %arg1: i32) -> (i32, i32, i32) {
    %c0_i32 = arith.constant 0 : i32
    %c0_i32_0 = arith.constant 0 : i32
    return %arg0, %arg1, %c0_i32 : i32, i32, i32
  }
  func.func @transform_2(%arg0: i32, %arg1: i32) -> (i32, i32, i32) {
    %c0_i32 = arith.constant 0 : i32
    %c0_i32_0 = arith.constant 0 : i32
    return %arg0, %arg1, %c0_i32 : i32, i32, i32
  }
}

</mosaic_0001>

<sc_bundles>
// kernel: kernel.4.cloned.1.call-start
scs
__scs_entry_jumppad:
0x0: {  	(pc) =	sbr.rel $0x88, $3  }
0x1: {  	(tag) =	ssettag $0x0;
	lr =	simm.s32 $0x1  }
0x2: {  	[smem:$0x3F9F] =	sst lr;
	_ =	strace $0xD0000000  }
0x3: {  	_ = 	snop  }
0x4: {  	_ = 	snop  }
0x5: {  	_ = 	snop  }
0x6: {  	_ = 	snop  }
0x7: {  	_ = 	snop  }
__scs_overlays_trampoline_lowered:
0x8: {  	[smem:$0x3FAE] =	sst s0  }
0x9: {  	[smem:$0x3FAF] =	sst s1  }
0xa: {  	[smem:$0x3FB0] =	sst s2  }
0xb: {  	[smem:$0x3FB1] =	sst s3  }
0xc: {  	[smem:$0x3FB2] =	sst s4  }
0xd: {  	[smem:$0x3FB3] =	sst s5  }
0xe: {  	[smem:$0x3FB4] =	sst s6  }
0xf: {  	[smem:$0x3FB5] =	sst s7  }
0x10: {  	[smem:$0x3FB6] =	sst s8  }
0x11: {  	[smem:$0x3FB7] =	sst s9;
	s0 =	simm.s32 @!p0 $0x0  }
0x12: {  	s1 =	sld [smem:$0x3F9D];
	s0 =	simm.s32 @p0 $0x1  }
0x13: {  	[smem:$0x3FB8] =	sst s0;
	s0 =	simm.s32 @!p1 $0x0  }
0x14: {  	s2 =	sld [smem:$0x3F9C];
	s0 =	simm.s32 @p1 $0x1  }
0x15: {  	[smem:$0x3FB9] =	sst s0;
	s0 =	simm.s32 @!p2 $0x0  }
0x16: {  	s3 =	sld [smem:$0x3FDB];
	s0 =	simm.s32 @p2 $0x1  }
0x17: {  	s4 =	simm.s32 $0x1BF5;
	[smem:$0x3FBB] =	sst s0  }
0x18: {  	s0 =	sld [smem:$0x3F9E];
	_ =	swait.ge [sflag:s4], $0x0  }
0x19: {  	s7 =	sld [smem:$0x3F9F]  }
0x1a: {  	s8 =	sadd.s32 $0xFFFFE003, lr  }
0x1b: {  	s9 =	sadd.s32 $0xFFFFFEF7, lr;
	s5 =	simm.s32 $0xFFFFFFFF;
	p2 =	slt.u32 s8, $0xFFFFF086  }
0x1c: {  	p1 =	slt.u32 s9, $0xF7A;
	s5 =	simm.s32 @!p2 $0x0  }
0x1d: {  	s5 =	simm.s32 @p1 $0x1;
	p0 =	seq.s32 s7, s2  }
0x1e: {  	s7 =	smul.u32 @!p0 $0xF7A, s2;
	p2 =	seq.s32 @!p0 s5, $0x0  }
0x1f: {  	s9 =	smul.u32 $0xF7A, s1;
	s8 =	simm.s32 @!p0 $0x1BF5;
	p2 =	por !p2, p0  }
0x20: {  	[sflag:s8] =	ssyncset.s32 @!p0 $0xFFFFF086;
	s6 =	sadd.s32 @!p0 s3, s7;
	s7 =	simm.s32 @!p0 $0x108  }
0x21: {  	s3 =	sadd.s32 s3, s9;
	s6 =	sadd.s32 @!p0 $0x88, s6;
	s7 =	simm.s32 @p2 $0x1082  }
0x22: {  	[simem:s7], [sflag:s8] =	dma.local @!p0 [hbm:s6], $0xF7A  }
0x23: {  	s9 =	sor.u32 $0xD0000000, s2;
	s6 =	simm.s32 $0x108;
	_ =	swait.ge @!p0 [sflag:s8], $0x0  }
0x24: {  	s3 =	sadd.s32 $0x88, s3;
	s6 =	simm.s32 @!p1 $0x1082;
	[sflag:s4] =	ssyncset.s32 $0xFFFFF086  }
0x25: {  	[simem:s6], [sflag:s4] =	dma.local [hbm:s3], $0xF7A  }
0x26: {  	[smem:$0x3F9F] =	sst s1;
	(tag) =	ssettag s2;
	_ =	strace s9  }
0x27: {  	s1 =	sld [smem:$0x3FAF]  }
0x28: {  	s2 =	sld [smem:$0x3FB0]  }
0x29: {  	s4 =	sld [smem:$0x3FB2]  }
0x2a: {  	p0 =	seq.s32 s5, $0x0;
	s5 =	sld [smem:$0x3FB3]  }
0x2b: {  	s6 =	sld [smem:$0x3FB4]  }
0x2c: {  	s7 =	sld [smem:$0x3FB5]  }
0x2d: {  	s3 =	simm.s32 $0x108;
	s8 =	sld [smem:$0x3FB6]  }
0x2e: {  	s3 =	simm.s32 @!p0 $0x1082;
	s9 =	sld [smem:$0x3FB7]  }
0x2f: {  	lr =	sadd.s32 s0, s3;
	s0 =	sld [smem:$0x3FAE]  }
0x30: {  	s3 =	sld [smem:$0x3FB1]  }
0x31: {  	[smem:$0x3FBA] =	sst s10  }
0x32: {  	s10 =	sld [smem:$0x3FB8];
	_ =	sdelay $0x3  }
0x33: {  	p0 =	seq.s32 s10, $0x1;
	s10 =	sld [smem:$0x3FBA];
	_ =	sdelay $0x3  }
0x34: {  	[smem:$0x3FBA] =	sst s10  }
0x35: {  	s10 =	sld [smem:$0x3FB9];
	_ =	sdelay $0x3  }
0x36: {  	p1 =	seq.s32 s10, $0x1;
	s10 =	sld [smem:$0x3FBA];
	_ =	sdelay $0x3  }
0x37: {  	[smem:$0x3FBA] =	sst s10  }
0x38: {  	s10 =	sld [smem:$0x3FBB]  }
0x39: {  	_ = 	snop;
	(pc) =	sbr.ind lr, $3  }
0x3a: {  	_ = 	snop  }
0x3b: {  	_ = 	snop  }
0x3c: {  	p2 =	seq.s32 s10, $0x1;
	s10 =	sld [smem:$0x3FBA]  }
0x3d: {  	_ =	shalt  }
0x3e: {  	_ =	shalt  }
0x3f: {  	_ =	shalt  }
0x40: {  	_ =	shalt  }
0x41: {  	_ =	shalt  }
0x42: {  	_ =	shalt  }
0x43: {  	_ =	shalt  }
0x44: {  	_ =	shalt  }
0x45: {  	_ =	shalt  }
0x46: {  	_ =	shalt  }
0x47: {  	_ =	shalt  }
0x48: {  	_ =	shalt  }
0x49: {  	_ =	shalt  }
0x4a: {  	_ =	shalt  }
0x4b: {  	_ =	shalt  }
0x4c: {  	_ =	shalt  }
0x4d: {  	_ =	shalt  }
0x4e: {  	_ =	shalt  }
0x4f: {  	_ =	shalt  }
0x50: {  	_ =	shalt  }
0x51: {  	_ =	shalt  }
0x52: {  	_ =	shalt  }
0x53: {  	_ =	shalt  }
0x54: {  	_ =	shalt  }
0x55: {  	_ =	shalt  }
0x56: {  	_ =	shalt  }
0x57: {  	_ =	shalt  }
0x58: {  	_ =	shalt  }
0x59: {  	_ =	shalt  }
0x5a: {  	_ =	shalt  }
0x5b: {  	_ =	shalt  }
0x5c: {  	_ =	shalt  }
0x5d: {  	_ =	shalt  }
0x5e: {  	_ =	shalt  }
0x5f: {  	_ =	shalt  }
0x60: {  	_ =	shalt  }
0x61: {  	_ =	shalt  }
0x62: {  	_ =	shalt  }
0x63: {  	_ =	shalt  }
0x64: {  	_ =	shalt  }
0x65: {  	_ =	shalt  }
0x66: {  	_ =	shalt  }
0x67: {  	_ =	shalt  }
0x68: {  	_ =	shalt  }
0x69: {  	_ =	shalt  }
0x6a: {  	_ =	shalt  }
0x6b: {  	_ =	shalt  }
0x6c: {  	_ =	shalt  }
0x6d: {  	_ =	shalt  }
0x6e: {  	_ =	shalt  }
0x6f: {  	_ =	shalt  }
0x70: {  	_ =	shalt  }
0x71: {  	_ =	shalt  }
0x72: {  	_ =	shalt  }
0x73: {  	_ =	shalt  }
0x74: {  	_ =	shalt  }
0x75: {  	_ =	shalt  }
0x76: {  	_ =	shalt  }
0x77: {  	_ =	shalt  }
0x78: {  	_ =	shalt  }
0x79: {  	_ =	shalt  }
0x7a: {  	_ =	shalt  }
0x7b: {  	_ =	shalt  }
0x7c: {  	_ =	shalt  }
0x7d: {  	_ =	shalt  }
0x7e: {  	_ =	shalt  }
0x7f: {  	_ =	shalt  }
0x80: {  	_ =	shalt  }
0x81: {  	_ =	shalt  }
0x82: {  	_ =	shalt  }
0x83: {  	_ =	shalt  }
0x84: {  	_ =	shalt  }
0x85: {  	_ =	shalt  }
0x86: {  	_ =	shalt  }
0x87: {  	_ =	shalt  }
.Lfunc_end0:
.L_simem_size_0:
called_computation_lowered:
.L_overlay_start_0:
0x88: {  	s2 =	sld [smem:$0x3FD9]  }
0x89: {  	s3 =	sld [smem:$0x3FFE];
	_ =	sdelay $0x1  }
0x8a: {  	s1 =	srdreg.scid  }
0x8b: {  	s0 =	sand.u32 $0x1, s1  }
0x8c: {  	s14 =	sshll.u32 s0, $0xA;
	s2 =	sadd.s32 s3, s2  }
0x8d: {  	s2 =	sadd.s32 s2, s14  }
0x8e: {  	[smem:$0x3FC6] =	sst s2  }
0x8f: {  	_ = 	snop  }
0x90: {  	s2 =	sld [smem:$0x3FD0];
	_ =	sdelay $0x2  }
0x91: {  	s15 =	simm.s32 $0xA;
	s4 =	simm.s32 $0x10  }
0x92: {  	[smem:s4], [sflag:s15] =	dma.local [hbm:s2], $0x1  }
0x93: {  	_ =	swait.eq [sflag:s15], $0x1  }
0x94: {  	[sflag:s15] =	ssyncset.done $0x0  }
0x95: {  	[sflag:s15] =	ssyncadd.s32 $0xFFFFFFFF  }
0x96: {  	s16 =	sld [smem:$0x12];
	(tm) =	ssettm $0x1  }
0x97: {  	s17 =	sld [smem:$0x3FFB];
	_ =	sdelay $0x3  }
0x98: {  	_ =	strace s17  }
0x99: {  	s3 =	sld [smem:$0x3FFC];
	_ =	sdelay $0x3  }
0x9a: {  	_ =	strace s3  }
0x9b: {  	s3 =	sld [smem:$0x3FFD];
	_ =	sdelay $0x3  }
0x9c: {  	_ =	strace s3  }
0x9d: {  	_ =	strace $0x8FFFFFFF  }
0x9e: {  	s18 =	sld [smem:$0x3FDB];
	_ =	sdelay $0x1  }
0x9f: {  	s19 =	simm.s32 $_scs_section_size  }
0xa0: {  	s5 =	simm.s32 $_size__tile_overlayer_lowered;
	s6 =	simm.s32 $_tile_overlayer_lowered  }
0xa1: {  	s22 =	simm.s32 $0x1BFF;
	s21 =	sshll.u32 s6, $0x1;
	s3 =	sadd.s32 s19, s18  }
0xa2: {  	s7 =	simm.s32 $0x0;
	s20 =	sshll.u32 s5, $0x1;
	s5 =	sadd.s32 s21, s3  }
0xa3: {  	[timem:s7], [sflag:s22] =	dma.local [hbm:s5], s20  }
0xa4: {  	_ =	swait.ge [sflag:s22], s20  }
0xa5: {  	s4 =	ssub.s32 $0x0, s20;
	[sflag:s22] =	ssyncset.done $0x0  }
0xa6: {  	[sflag:s22] =	ssyncadd.s32 s4;
	_ =	sdelay $0x1  }
0xa7: {  	s23 =	simm.s32 $0x1B8B  }
0xa8: {  	_ =	swait.ge [sflag:s23], $0x1  }
0xa9: {  	[sflag:s23] =	ssyncset.done $0x0  }
0xaa: {  	s25 =	simm.s32 $0x1B8E;
	s24 =	sld [smem:$0x3FFE];
	[sflag:s23] =	ssyncadd.s32 $0xFFFFFFFF  }
0xab: {  	s26 =	simm.s32 $execute0_lowered;
	[smem:$0x3FD2] =	sst s25  }
0xac: {  	s5 =	sshll.u32 s26, $0x1;
	_ =	strace $0x80000046;
	[dreg:$0x1] =	wrdreg $0xFFFFFFFF  }
0xad: {  	s28 =	simm.s32 $_size_execute0_lowered;
	s3 =	sadd.s32 s3, s5;
	[dreg:$0x0] =	wrdreg $0x0  }
0xae: {  	s5 =	sshll.u32 s28, $0x1;
	[dreg:$0x2] =	wrdreg s3  }
0xaf: {  	[dreg:$0x3] =	wrdreg s5  }
0xb0: {  	[dreg:$0x4] =	wrdreg $0xC0  }
0xb1: {  	_ =	task [dreg:s7], $0x5FFFF  }
0xb2: {  	[dreg:$0x1] =	wrdreg $0xFFFFFFFF  }
0xb3: {  	[dreg:$0x0] =	wrdreg $0x60  }
0xb4: {  	[dreg:$0x2] =	wrdreg s24  }
0xb5: {  	[dreg:$0x3] =	wrdreg s16  }
0xb6: {  	[dreg:$0x4] =	wrdreg $0x9  }
0xb7: {  	_ =	task.clear_ibuf [dreg:s7], $0x5FFFF;
	_ =	strace $0x90000046  }
0xb8: {  	s29 =	simm.s32 $0x9;
	_ =	strace $0x80000048  }
0xb9: {  	_ =	swait.ge [sflag:s29], $0x1  }
0xba: {  	[sflag:s29] =	ssyncadd.s32 $0xFFFFFFFF  }
0xbb: {  	_ =	strace $0x90000048  }
0xbc: {  	_ =	sfence  }
0xbd: {  	s30 =	sld [smem:$0x0];
	_ =	sdelay $0x2  }
0xbe: {  	s31 =	sshll.u32 s1, $0xD;
	s1 =	sshrl.u32 s1, $0x2  }
0xbf: {  	s3 =	sand.u32 $0x4000, s31;
	s1 =	sadd.s32 s1, s30  }
0xc0: {  	s0 =	sor.u32 s3, s0;
	s1 =	sshll.u32 s1, $0x11  }
0xc1: {  	s0 =	sor.u32 s1, s0  }
0xc2: {  	s0 =	sadd.s32 $0x8F2B, s0  }
0xc3: {  	[sflag:s0] =	ssyncadd.remote.s32 $0x1  }
0xc4: {  	_ =	sfence.sel $0xFFFF  }
0xc5: {  	[dreg:$0x0] =	wrdreg $0xFFFFFFFF;
	(pc) =	sbr.abs _section_cstart, $3  }
0xc6: {  	[dreg:$0x1] =	wrdreg $0xFFFFFFFF  }
0xc7: {  	_ =	task.clear_ibuf [dreg:s7], $0x2FFFF;
	_ =	strace $0x9FFFFFFF  }
0xc8: {  	(tm) =	ssettm $0x7FFFFFFF  }
0xc9: {  	_ =	shalt  }
tec
execute0_lowered:
.L_overlay_start_1:
0x0: {  	(tag) =	ssettag $0x1  }
0x1: {  	s0 =	srdreg.scid  }
0x2: {  	s4 =	sand.u32 $0x1, s0;
	s0 =	stileid.u32  }
0x3: {  	s5 =	sor.u32 s0, s4  }
0x4: {  	p0 =	sne.s32 s5, $0x0  }
.Ltmp0:
0x5: {  	_ = 	snop;
	(pc) =	sbr.rel @p0 .LBB2_5-.Ltmp0, $4  }
0x6: {  	_ = 	snop  }
0x7: {  	s3 =	rddreg [dreg:$0x0]  }
0x8: {  	s2 =	rddreg [dreg:$0x1]  }
0x9: {  	s1 =	rddreg [dreg:$0x2];
	_ =	strace $0x80000047  }
0xa: {  	s4 =	ssub.s32 $0x2, s4;
	s3 =	sadd.s32 $0x800, s3  }
0xb: {  	s6 =	simm.s32 $0x1;
	s7 =	simm.s32 $0x4000;
	s5 =	sshrl.u32 s4, $0x1  }
0xc: {  	s8 =	simm.s32 $0x0;
	s4 =	ssub.s32 s4, s5;
	s5 =	simm.s32 $0x0  }
.LBB2_2:
0xd: {  	[tilespmem:s5], [sflag:$0x1] =	stream.linear.gather [hbm4b:s3+s5], $0x4000, $0x38;
	[tilespmem:$0x4080] =	vst v63  }
0xe: {  	_ =	swait.ge [sflag:s6], $0x4000  }
0xf: {  	[sflag:s6] =	ssyncset.done $0x0  }
0x10: {  	s10 =	simm.s32 $0x0;
	[sflag:s6] =	ssyncadd.s32 $0xFFFFC000  }
0x11: {  	v0 =	vimm.s32 $0x0;
	s9 =	simm.s32 $0x40;
	v1 =	vld [tilespmem:s10+$0x0]  }
.LBB2_3:
0x12: {  	p0 =	sne.s32 s9, $0xFFC0  }
.Ltmp1:
0x13: {  	_ = 	snop;
	(pc) =	sbr.rel @p0 .LBB2_3-.Ltmp1, $3  }
0x14: {  	_ =	sdelay $0x1  }
0x15: {  	s10 =	sshra.s32 s9, $0x2;
	s9 =	sadd.s32 $0x40, s9;
	v0 =	vadd.s32 v0, v1  }
0x16: {  	v1 =	vld [tilespmem:s10+$0x0]  }
0x17: {  	_ =	sdelay $0x3  }
0x18: {  	s8 =	sadd.s32 $0x1, s8;
	v0 =	vadd.s32 v0, v1  }
0x19: {  	p0 =	sne.s32 s8, s4;
	v0 =	vsub.s32 $0x400, v0  }
.Ltmp2:
0x1a: {  	[tilespmem:$0x4000] =	vst v0;
	(pc) =	sbr.rel @p0 .LBB2_2-.Ltmp2, $4  }
0x1b: {  	[hbm4b:s2+s5] =	stream.linear.scatter [tilespmem:s7], [sflag:$0x1], $0x80, $0x38;
	[tilespmem:$0x4080] =	vst v63  }
0x1c: {  	_ =	swait.ge [sflag:s6], $0x80  }
0x1d: {  	[sflag:s6] =	ssyncset.done $0x0  }
0x1e: {  	[sflag:s6] =	ssyncadd.s32 $0xFFFFFF80  }
.LBB2_5:
0x1f: {  	_ =	sfence.sel $0x180000  }
0x20: {  	[bflag:$0x0] =	sbarrier.arrive $0xFFFF  }
0x21: {  	p0 =	sne.s32 s0, $0x0;
	_ =	strace $0x90000047  }
0x22: {  	s0 =	sadd.s32 @!p0 $0x100000, s1;
	[bflag:$0x2] =	sbarrier.arrive $0xFFFF  }
0x23: {  	[sflag:s0] =	ssyncadd.tile.s32 @!p0 $0x1;
	_ =	shalt  }
.Lfunc_end2:
_tile_overlayer_lowered:
.L_overlay_start_2:
0x24: {  	(tag) =	ssettag $0x2  }
0x25: {  	s0 =	rddreg [dreg:$0x0];
	s2 =	stileid.u32  }
0x26: {  	s1 =	rddreg [dreg:$0x1];
	p0 =	sne.s32 s2, $0x0  }
0x27: {  	s3 =	rddreg [dreg:$0x2];
	[bflag:$0x3] =	sbarrier.arrive $0xFFFF;
	s2 =	simm.s32 @!p0 $0x1C01  }
0x28: {  	[timem:s3], [sflag:s2] =	dma.local @!p0 [hbm:s0], s1  }
0x29: {  	s0 =	simm.s32 @!p0 $0x1  }
0x2a: {  	_ =	swait.ge @!p0 [sflag:s0], s1  }
0x2b: {  	s1 =	ssub.s32 @!p0 $0x0, s1;
	[sflag:s0] =	ssyncset.done @!p0 $0x0  }
0x2c: {  	[sflag:s0] =	ssyncadd.s32 @!p0 s1  }
0x2d: {  	[bflag:$0x3] =	sbarrier.arrive $0xFFFF  }
0x2e: {  	_ =	shalt  }

</sc_bundles>
